<compile_context>
chip_gen: v7x
topology: tpu7x:2x2x1
jax: 0.10.2.dev20260603
libtpu: 0.0.44.dev20260713+nightly
codegen_flags: <defaults>
</compile_context>

<pallas_src>
import functools

import jax
import jax.numpy as jnp
import numpy as np
from jax import lax
from jax.experimental import pallas as pl
from jax.experimental.pallas import tpu as pltpu
from jax.experimental.pallas import tpu_sc as plsc

_H = 48
_W = 48
_T = _H * _W
_TT = 2304
_SUB = _T // 128
_OFFS = (-_W, -1, 1, _W)
_EPS = np.float32(1e-8)
_DENOM = np.float32(2.0 * 0.1 ** 2)
_NEG1 = np.float32(-1.0)


def _topk_body(cx_ref, cy_ref, cxs_ref, cys_ref, idx_ref):
    cx = cx_ref[...]
    cy = cy_ref[...]
    tok = (lax.broadcasted_iota(jnp.int32, (_SUB, 128), 0) * 128
           + lax.broadcasted_iota(jnp.int32, (_SUB, 128), 1))
    xcol = tok % _W
    val = [tok >= _W, xcol > 0, xcol < _W - 1, tok < _T - _W]
    sims = []
    cidx = []
    for j in range(4):
        dx = cx - cxs_ref[j]
        dy = cy - cys_ref[j]
        s = dx * dx + dy * dy
        dist = jnp.sqrt(s + _EPS)
        sim = jnp.exp(-(dist * dist) / _DENOM)
        sims.append(jnp.where(val[j], sim, _NEG1))
        cidx.append(tok + _OFFS[j])
    m1 = jnp.maximum(jnp.maximum(sims[0], sims[1]),
                     jnp.maximum(sims[2], sims[3]))
    idx1 = jnp.where(sims[0] == m1, cidx[0],
                     jnp.where(sims[1] == m1, cidx[1],
                               jnp.where(sims[2] == m1, cidx[2], cidx[3])))
    sims = [jnp.where(cidx[j] == idx1, _NEG1, sims[j]) for j in range(4)]
    m2 = jnp.maximum(jnp.maximum(sims[0], sims[1]),
                     jnp.maximum(sims[2], sims[3]))
    idx2 = jnp.where(sims[0] == m2, cidx[0],
                     jnp.where(sims[1] == m2, cidx[1],
                               jnp.where(sims[2] == m2, cidx[2], cidx[3])))
    idx_ref[0] = idx1
    idx_ref[1] = idx2


def _neighbor_idx(cx, cy):
    xg = cx.reshape(_H, _W)
    yg = cy.reshape(_H, _W)
    cxs = jnp.stack([jnp.roll(xg, 1, 0), jnp.roll(xg, 1, 1),
                     jnp.roll(xg, -1, 1), jnp.roll(xg, -1, 0)])
    cys = jnp.stack([jnp.roll(yg, 1, 0), jnp.roll(yg, 1, 1),
                     jnp.roll(yg, -1, 1), jnp.roll(yg, -1, 0)])
    out = pl.pallas_call(
        _topk_body,
        out_shape=jax.ShapeDtypeStruct((2, _SUB, 128), jnp.int32),
    )(cx.reshape(_SUB, 128), cy.reshape(_SUB, 128),
      cxs.reshape(4, _SUB, 128), cys.reshape(4, _SUB, 128))
    return out[0].reshape(_T), out[1].reshape(_T)


def _make_sc_gather(B, T, n_ch, chunk, n_chunks_per_worker, dtype):
    info = plsc.get_sparse_core_info()
    nc, ns = info.num_cores, info.num_subcores
    nw = nc * ns
    rpw = chunk * n_chunks_per_worker
    n_rows = nw * rpw
    mesh = plsc.VectorSubcoreMesh(core_axis_name="c", subcore_axis_name="s")

    @functools.partial(
        pl.kernel,
        mesh=mesh,
        out_type=jax.ShapeDtypeStruct((n_rows, n_ch), dtype),
        scratch_types=[
            pltpu.VMEM((n_chunks_per_worker, chunk), jnp.int32),
            pltpu.VMEM((rpw, n_ch), dtype),
            pltpu.SemaphoreType.DMA,
        ],
    )
    def sc_gather(table_hbm, idx_hbm, out_hbm, idx_v, rows_v, sem):
        wid = lax.axis_index("s") * nc + lax.axis_index("c")
        base = wid * rpw
        pltpu.sync_copy(idx_hbm.at[wid], idx_v)
        gathers = [
            pltpu.async_copy(table_hbm.at[idx_v.at[r]],
                             rows_v.at[pl.ds(r * chunk, chunk)], sem)
            for r in range(n_chunks_per_worker)
        ]
        for g in gathers:
            g.wait()
        pltpu.sync_copy(rows_v, out_hbm.at[pl.ds(base, rpw)])

    return sc_gather


def _conv_body(feat_ref, prime_ref, w0_ref, wk_ref, bias_ref, out_ref):
    f0 = feat_ref[0]
    p1 = prime_ref[0, 0]
    p2 = prime_ref[0, 1]
    dn = (((1,), (1,)), ((), ()))
    acc = lax.dot_general(w0_ref[...], f0, dn,
                          preferred_element_type=jnp.float32)
    acc = acc + lax.dot_general(wk_ref[0], p1, dn,
                                preferred_element_type=jnp.float32)
    acc = acc + lax.dot_general(wk_ref[1], p2, dn,
                                preferred_element_type=jnp.float32)
    out_ref[0] = acc + bias_ref[...]


def kernel(x, W, b):
    B, C, H, Wd = x.shape
    O = W.shape[0]
    T = H * Wd

    yv = jnp.linspace(-1.0, 1.0, H)
    xv = jnp.linspace(-1.0, 1.0, Wd)
    yg, xg = jnp.meshgrid(yv, xv, indexing="ij")
    cx = xg.reshape(T)
    cy = yg.reshape(T)

    idx1, idx2 = _neighbor_idx(cx, cy)

    feat = x.reshape(B, C, T)
    featT = jnp.swapaxes(feat, 1, 2)
    table = featT.reshape(B * T, C)

    chunk = 96
    n_workers = 32
    n_chunks_per_worker = 2 * B * T // (n_workers * chunk)
    off = (jnp.arange(B, dtype=jnp.int32) * T)[:, None, None]
    idx_kt = jnp.stack([idx1, idx2], axis=0)[None]
    gidx = (idx_kt + off).reshape(n_workers, n_chunks_per_worker, chunk)

    sc_gather = _make_sc_gather(B, T, C, chunk, n_chunks_per_worker,
                                jnp.float32)
    prime = sc_gather(table, gidx).reshape(B, 2, T, C)

    Wk = jnp.moveaxis(W, 2, 0)
    w0 = Wk[0]
    wk = Wk[1:]
    bias_col = b.reshape(O, 1)
    out = pl.pallas_call(
        _conv_body,
        grid=(B, T // _TT),
        in_specs=[
            pl.BlockSpec((1, _TT, C), lambda bi, j: (bi, j, 0)),
            pl.BlockSpec((1, 2, _TT, C), lambda bi, j: (bi, 0, j, 0)),
            pl.BlockSpec((O, C), lambda bi, j: (0, 0)),
            pl.BlockSpec((2, O, C), lambda bi, j: (0, 0, 0)),
            pl.BlockSpec((O, 1), lambda bi, j: (0, 0)),
        ],
        out_specs=pl.BlockSpec((1, O, _TT), lambda bi, j: (bi, 0, j)),
        out_shape=jax.ShapeDtypeStruct((B, O, T), jnp.float32),
    )(featT, prime, w0, wk, bias_col)
    return out.reshape(B, O, H, Wd)

# --- scband reference (transcript-rebuilt; emitter-appended) ---
"""Pipeline reference for scband-conv2d-nn-sanity-32246614458953 (READ-ONLY COPY).

The authoritative reference and input builder live on the scoring server;
editing this copy changes nothing except your own understanding.
"""

import jax, jax.numpy as jnp
import numpy as np


def setup_inputs(seed: int = 0) -> dict:
    key = jax.random.key(seed)
    k1, k2, k3 = jax.random.split(key, 3)
    x = jax.random.normal(k1, (4, 128, 48, 48), dtype=jnp.float32)
    fan_in = 128 * 3
    bound = 1.0 / np.sqrt(fan_in)
    W = jax.random.uniform(k2, (128, 128, 3), dtype=jnp.float32, minval=-bound, maxval=bound)
    b = jax.random.uniform(k3, (128,), dtype=jnp.float32, minval=-bound, maxval=bound)
    return {"x": x, "W": W, "b": b}


def _forward(x, W, b):
    B, C, H, Wd = x.shape
    K = 3
    sigma = 0.1
    # coordinate encoding (two extra channels: x-grid then y-grid)
    yv = jnp.linspace(-1.0, 1.0, H)
    xv = jnp.linspace(-1.0, 1.0, Wd)
    yg, xg = jnp.meshgrid(yv, xv, indexing='ij')
    grid = jnp.broadcast_to(jnp.stack((xg, yg), axis=0)[None], (B, 2, H, Wd))
    xc = jnp.concatenate([x, grid], axis=1)
    flat = xc.reshape(B, C + 2, H * Wd)
    x_dist = flat[:, -2:, :]
    feat = flat[:, :-2, :]
    # pairwise coordinate similarity matrix [B, T, T]
    diff = x_dist[:, :, :, None] - x_dist[:, :, None, :]
    dist = jnp.sqrt(jnp.sum(diff ** 2, axis=1) + 1e-08)
    sim = jnp.exp(-(dist ** 2) / (2.0 * sigma ** 2))
    # top-K nearest (largest similarity) neighbor indices per token
    _, idx = jax.lax.top_k(sim, K)  # [B, T, K]
    idx = jax.lax.stop_gradient(idx)
    # gather: prime[b, c, t, k] = feat[b, c, idx[b, t, k]]
    prime = jax.vmap(lambda f, i: f[:, i])(feat, idx)  # [B, C, T, K]
    # Conv1d with kernel_size=K, stride=K over prime reshaped to [B, C, T*K]
    # is exactly a per-token contraction over (C, K)
    out = jnp.einsum('bctk,ock->bot', prime, W) + b[None, :, None]
    return out.reshape(B, W.shape[0], H, Wd)


def reference(x, W, b):
    return _forward(x, W, b)

if __name__ == "__main__":
    import jax
    _d = setup_inputs()
    print(jax.jit(kernel)(*tuple(_d.values())))

</pallas_src>

<mosaic_0001>
#map = affine_map<(d0, d1) -> (0, 0)>
#map1 = affine_map<(d0, d1) -> (0, 0, 0)>
module attributes {stable_mosaic.version = 14 : i64} {
  func.func @sc_gather(%arg0: i32, %arg1: i32, %arg2: memref<9216x128xf32, #tpu.memory_space<hbm>>, %arg3: memref<32x6x96xi32, #tpu.memory_space<hbm>>, %arg4: memref<18432x128xf32, #tpu.memory_space<hbm>>, %arg5: memref<6x96xi32, #tpu.memory_space<vmem>>, %arg6: memref<576x128xf32, #tpu.memory_space<vmem>>, %arg7: memref<!tpu.dma_semaphore, #tpu.memory_space<semaphore_mem>>) attributes {dimension_semantics = [#tpu.dimension_semantics<core_parallel>, #tpu.dimension_semantics<subcore_parallel>], iteration_bounds = array<i64: 2, 16>, scalar_prefetch = 0 : i64, scratch_operands = 3 : i64, tpu.core_type = #tpu.core_type<sc_vector_subcore>, window_params = [{transform_indices = #map}, {transform_indices = #map1}, {transform_indices = #map}]} {
    %mul3A = arith.constant 2 : i32
    %mul3A_0 = arith.muli %arg1, %mul3A : i32
    %add3A = arith.addi %mul3A_0, %arg0 : i32
    %mul3A_1 = arith.constant 576 : i32
    %mul3A_2 = arith.muli %add3A, %mul3A_1 : i32
    "tpu.region"() ({
      %run_scoped3A = tpu.sem_alloc : memref<!tpu.dma_semaphore, #tpu.memory_space<semaphore_mem>>
      %dma_start3A_121 = arith.constant 0 : i32
      %dma_start3A_122 = arith.constant 0 : i32
      %dma_start3A_123 = tpu.memref_slice %arg3[%add3A, %dma_start3A_121, %dma_start3A_122] : memref<32x6x96xi32, #tpu.memory_space<hbm>> -> memref<1x6x96xi32, #tpu.memory_space<hbm>>
      %dma_start3A_124 = tpu.memref_squeeze %dma_start3A_123 : memref<1x6x96xi32, #tpu.memory_space<hbm>> -> memref<6x96xi32, #tpu.memory_space<hbm>>
      %dma_start3A_125 = arith.constant 0 : i32
      %dma_start3A_126 = arith.constant 0 : i32
      %dma_start3A_127 = tpu.memref_slice %arg3[%add3A, %dma_start3A_125, %dma_start3A_126] : memref<32x6x96xi32, #tpu.memory_space<hbm>> -> memref<1x6x96xi32, #tpu.memory_space<hbm>>
      %dma_start3A_128 = tpu.memref_squeeze %dma_start3A_127 : memref<1x6x96xi32, #tpu.memory_space<hbm>> -> memref<6x96xi32, #tpu.memory_space<hbm>>
      tpu.enqueue_dma source(%dma_start3A_128 : memref<6x96xi32, #tpu.memory_space<hbm>>) target(%arg5 : memref<6x96xi32, #tpu.memory_space<vmem>>) target_semaphore(%run_scoped3A : memref<!tpu.dma_semaphore, #tpu.memory_space<semaphore_mem>>)
      %dma_wait3A_129 = arith.constant 0 : i32
      %dma_wait3A_130 = arith.constant 0 : i32
      %dma_wait3A_131 = tpu.memref_slice %arg3[%add3A, %dma_wait3A_129, %dma_wait3A_130] : memref<32x6x96xi32, #tpu.memory_space<hbm>> -> memref<1x6x96xi32, #tpu.memory_space<hbm>>
      %dma_wait3A_132 = tpu.memref_squeeze %dma_wait3A_131 : memref<1x6x96xi32, #tpu.memory_space<hbm>> -> memref<6x96xi32, #tpu.memory_space<hbm>>
      %dma_wait3A_133 = arith.constant 0 : i32
      %dma_wait3A_134 = arith.constant 0 : i32
      %dma_wait3A_135 = tpu.memref_slice %arg3[%add3A, %dma_wait3A_133, %dma_wait3A_134] : memref<32x6x96xi32, #tpu.memory_space<hbm>> -> memref<1x6x96xi32, #tpu.memory_space<hbm>>
      %dma_wait3A_136 = tpu.memref_squeeze %dma_wait3A_135 : memref<1x6x96xi32, #tpu.memory_space<hbm>> -> memref<6x96xi32, #tpu.memory_space<hbm>>
      tpu.wait_dma2 semaphore(%run_scoped3A : memref<!tpu.dma_semaphore, #tpu.memory_space<semaphore_mem>>) src(%dma_wait3A_136 : memref<6x96xi32, #tpu.memory_space<hbm>>) dst(%arg5 : memref<6x96xi32, #tpu.memory_space<vmem>>)
      tpu.yield
    }) : () -> ()
    %dma_start3A = arith.constant 0 : i32
    %dma_start3A_3 = arith.constant 0 : i32
    %dma_start3A_4 = arith.constant 0 : i32
    %dma_start3A_5 = tpu.memref_slice %arg6[%dma_start3A_3, %dma_start3A_4] : memref<576x128xf32, #tpu.memory_space<vmem>> -> memref<96x128xf32, #tpu.memory_space<vmem>>
    %dma_start3A_6 = arith.constant 0 : i32
    %dma_start3A_7 = tpu.memref_slice %arg5[%dma_start3A, %dma_start3A_6] : memref<6x96xi32, #tpu.memory_space<vmem>> -> memref<1x96xi32, #tpu.memory_space<vmem>>
    %dma_start3A_8 = tpu.memref_squeeze %dma_start3A_7 : memref<1x96xi32, #tpu.memory_space<vmem>> -> memref<96xi32, #tpu.memory_space<vmem>>
    %dma_start3A_9 = arith.constant 0 : i32
    %dma_start3A_10 = arith.constant 0 : i32
    %dma_start3A_11 = tpu.memref_slice %arg2[%dma_start3A_9, %dma_start3A_10] : memref<9216x128xf32, #tpu.memory_space<hbm>> -> memref<9216x128xf32, #tpu.memory_space<hbm>>
    tpu.enqueue_indirect_dma source(%dma_start3A_11 : memref<9216x128xf32, #tpu.memory_space<hbm>>) target(%dma_start3A_5 : memref<96x128xf32, #tpu.memory_space<vmem>>) offsets(%dma_start3A_8 : memref<96xi32, #tpu.memory_space<vmem>>) semaphore(%arg7 : memref<!tpu.dma_semaphore, #tpu.memory_space<semaphore_mem>>)
    %dma_start3A_12 = arith.constant 1 : i32
    %dma_start3A_13 = arith.constant 96 : i32
    %dma_start3A_14 = arith.constant 0 : i32
    %dma_start3A_15 = tpu.memref_slice %arg6[%dma_start3A_13, %dma_start3A_14] : memref<576x128xf32, #tpu.memory_space<vmem>> -> memref<96x128xf32, #tpu.memory_space<vmem>>
    %dma_start3A_16 = arith.constant 0 : i32
    %dma_start3A_17 = tpu.memref_slice %arg5[%dma_start3A_12, %dma_start3A_16] : memref<6x96xi32, #tpu.memory_space<vmem>> -> memref<1x96xi32, #tpu.memory_space<vmem>>
    %dma_start3A_18 = tpu.memref_squeeze %dma_start3A_17 : memref<1x96xi32, #tpu.memory_space<vmem>> -> memref<96xi32, #tpu.memory_space<vmem>>
    %dma_start3A_19 = arith.constant 0 : i32
    %dma_start3A_20 = arith.constant 0 : i32
    %dma_start3A_21 = tpu.memref_slice %arg2[%dma_start3A_19, %dma_start3A_20] : memref<9216x128xf32, #tpu.memory_space<hbm>> -> memref<9216x128xf32, #tpu.memory_space<hbm>>
    tpu.enqueue_indirect_dma source(%dma_start3A_21 : memref<9216x128xf32, #tpu.memory_space<hbm>>) target(%dma_start3A_15 : memref<96x128xf32, #tpu.memory_space<vmem>>) offsets(%dma_start3A_18 : memref<96xi32, #tpu.memory_space<vmem>>) semaphore(%arg7 : memref<!tpu.dma_semaphore, #tpu.memory_space<semaphore_mem>>)
    %dma_start3A_22 = arith.constant 2 : i32
    %dma_start3A_23 = arith.constant 192 : i32
    %dma_start3A_24 = arith.constant 0 : i32
    %dma_start3A_25 = tpu.memref_slice %arg6[%dma_start3A_23, %dma_start3A_24] : memref<576x128xf32, #tpu.memory_space<vmem>> -> memref<96x128xf32, #tpu.memory_space<vmem>>
    %dma_start3A_26 = arith.constant 0 : i32
    %dma_start3A_27 = tpu.memref_slice %arg5[%dma_start3A_22, %dma_start3A_26] : memref<6x96xi32, #tpu.memory_space<vmem>> -> memref<1x96xi32, #tpu.memory_space<vmem>>
    %dma_start3A_28 = tpu.memref_squeeze %dma_start3A_27 : memref<1x96xi32, #tpu.memory_space<vmem>> -> memref<96xi32, #tpu.memory_space<vmem>>
    %dma_start3A_29 = arith.constant 0 : i32
    %dma_start3A_30 = arith.constant 0 : i32
    %dma_start3A_31 = tpu.memref_slice %arg2[%dma_start3A_29, %dma_start3A_30] : memref<9216x128xf32, #tpu.memory_space<hbm>> -> memref<9216x128xf32, #tpu.memory_space<hbm>>
    tpu.enqueue_indirect_dma source(%dma_start3A_31 : memref<9216x128xf32, #tpu.memory_space<hbm>>) target(%dma_start3A_25 : memref<96x128xf32, #tpu.memory_space<vmem>>) offsets(%dma_start3A_28 : memref<96xi32, #tpu.memory_space<vmem>>) semaphore(%arg7 : memref<!tpu.dma_semaphore, #tpu.memory_space<semaphore_mem>>)
    %dma_start3A_32 = arith.constant 3 : i32
    %dma_start3A_33 = arith.constant 288 : i32
    %dma_start3A_34 = arith.constant 0 : i32
    %dma_start3A_35 = tpu.memref_slice %arg6[%dma_start3A_33, %dma_start3A_34] : memref<576x128xf32, #tpu.memory_space<vmem>> -> memref<96x128xf32, #tpu.memory_space<vmem>>
    %dma_start3A_36 = arith.constant 0 : i32
    %dma_start3A_37 = tpu.memref_slice %arg5[%dma_start3A_32, %dma_start3A_36] : memref<6x96xi32, #tpu.memory_space<vmem>> -> memref<1x96xi32, #tpu.memory_space<vmem>>
    %dma_start3A_38 = tpu.memref_squeeze %dma_start3A_37 : memref<1x96xi32, #tpu.memory_space<vmem>> -> memref<96xi32, #tpu.memory_space<vmem>>
    %dma_start3A_39 = arith.constant 0 : i32
    %dma_start3A_40 = arith.constant 0 : i32
    %dma_start3A_41 = tpu.memref_slice %arg2[%dma_start3A_39, %dma_start3A_40] : memref<9216x128xf32, #tpu.memory_space<hbm>> -> memref<9216x128xf32, #tpu.memory_space<hbm>>
    tpu.enqueue_indirect_dma source(%dma_start3A_41 : memref<9216x128xf32, #tpu.memory_space<hbm>>) target(%dma_start3A_35 : memref<96x128xf32, #tpu.memory_space<vmem>>) offsets(%dma_start3A_38 : memref<96xi32, #tpu.memory_space<vmem>>) semaphore(%arg7 : memref<!tpu.dma_semaphore, #tpu.memory_space<semaphore_mem>>)
    %dma_start3A_42 = arith.constant 4 : i32
    %dma_start3A_43 = arith.constant 384 : i32
    %dma_start3A_44 = arith.constant 0 : i32
    %dma_start3A_45 = tpu.memref_slice %arg6[%dma_start3A_43, %dma_start3A_44] : memref<576x128xf32, #tpu.memory_space<vmem>> -> memref<96x128xf32, #tpu.memory_space<vmem>>
    %dma_start3A_46 = arith.constant 0 : i32
    %dma_start3A_47 = tpu.memref_slice %arg5[%dma_start3A_42, %dma_start3A_46] : memref<6x96xi32, #tpu.memory_space<vmem>> -> memref<1x96xi32, #tpu.memory_space<vmem>>
    %dma_start3A_48 = tpu.memref_squeeze %dma_start3A_47 : memref<1x96xi32, #tpu.memory_space<vmem>> -> memref<96xi32, #tpu.memory_space<vmem>>
    %dma_start3A_49 = arith.constant 0 : i32
    %dma_start3A_50 = arith.constant 0 : i32
    %dma_start3A_51 = tpu.memref_slice %arg2[%dma_start3A_49, %dma_start3A_50] : memref<9216x128xf32, #tpu.memory_space<hbm>> -> memref<9216x128xf32, #tpu.memory_space<hbm>>
    tpu.enqueue_indirect_dma source(%dma_start3A_51 : memref<9216x128xf32, #tpu.memory_space<hbm>>) target(%dma_start3A_45 : memref<96x128xf32, #tpu.memory_space<vmem>>) offsets(%dma_start3A_48 : memref<96xi32, #tpu.memory_space<vmem>>) semaphore(%arg7 : memref<!tpu.dma_semaphore, #tpu.memory_space<semaphore_mem>>)
    %dma_start3A_52 = arith.constant 5 : i32
    %dma_start3A_53 = arith.constant 480 : i32
    %dma_start3A_54 = arith.constant 0 : i32
    %dma_start3A_55 = tpu.memref_slice %arg6[%dma_start3A_53, %dma_start3A_54] : memref<576x128xf32, #tpu.memory_space<vmem>> -> memref<96x128xf32, #tpu.memory_space<vmem>>
    %dma_start3A_56 = arith.constant 0 : i32
    %dma_start3A_57 = tpu.memref_slice %arg5[%dma_start3A_52, %dma_start3A_56] : memref<6x96xi32, #tpu.memory_space<vmem>> -> memref<1x96xi32, #tpu.memory_space<vmem>>
    %dma_start3A_58 = tpu.memref_squeeze %dma_start3A_57 : memref<1x96xi32, #tpu.memory_space<vmem>> -> memref<96xi32, #tpu.memory_space<vmem>>
    %dma_start3A_59 = arith.constant 0 : i32
    %dma_start3A_60 = arith.constant 0 : i32
    %dma_start3A_61 = tpu.memref_slice %arg2[%dma_start3A_59, %dma_start3A_60] : memref<9216x128xf32, #tpu.memory_space<hbm>> -> memref<9216x128xf32, #tpu.memory_space<hbm>>
    tpu.enqueue_indirect_dma source(%dma_start3A_61 : memref<9216x128xf32, #tpu.memory_space<hbm>>) target(%dma_start3A_55 : memref<96x128xf32, #tpu.memory_space<vmem>>) offsets(%dma_start3A_58 : memref<96xi32, #tpu.memory_space<vmem>>) semaphore(%arg7 : memref<!tpu.dma_semaphore, #tpu.memory_space<semaphore_mem>>)
    %dma_wait3A = arith.constant 0 : i32
    %dma_wait3A_62 = arith.constant 0 : i32
    %dma_wait3A_63 = arith.constant 0 : i32
    %dma_wait3A_64 = tpu.memref_slice %arg6[%dma_wait3A_62, %dma_wait3A_63] : memref<576x128xf32, #tpu.memory_space<vmem>> -> memref<96x128xf32, #tpu.memory_space<vmem>>
    %dma_wait3A_65 = arith.constant 0 : i32
    %dma_wait3A_66 = tpu.memref_slice %arg5[%dma_wait3A, %dma_wait3A_65] : memref<6x96xi32, #tpu.memory_space<vmem>> -> memref<1x96xi32, #tpu.memory_space<vmem>>
    %dma_wait3A_67 = tpu.memref_squeeze %dma_wait3A_66 : memref<1x96xi32, #tpu.memory_space<vmem>> -> memref<96xi32, #tpu.memory_space<vmem>>
    %dma_wait3A_68 = arith.constant 0 : i32
    %dma_wait3A_69 = arith.constant 0 : i32
    %dma_wait3A_70 = tpu.memref_slice %arg2[%dma_wait3A_68, %dma_wait3A_69] : memref<9216x128xf32, #tpu.memory_space<hbm>> -> memref<9216x128xf32, #tpu.memory_space<hbm>>
    tpu.wait_indirect_dma semaphore(%arg7 : memref<!tpu.dma_semaphore, #tpu.memory_space<semaphore_mem>>) src(%dma_wait3A_70 : memref<9216x128xf32, #tpu.memory_space<hbm>>) dst(%dma_wait3A_64 : memref<96x128xf32, #tpu.memory_space<vmem>>)
    %dma_wait3A_71 = arith.constant 1 : i32
    %dma_wait3A_72 = arith.constant 96 : i32
    %dma_wait3A_73 = arith.constant 0 : i32
    %dma_wait3A_74 = tpu.memref_slice %arg6[%dma_wait3A_72, %dma_wait3A_73] : memref<576x128xf32, #tpu.memory_space<vmem>> -> memref<96x128xf32, #tpu.memory_space<vmem>>
    %dma_wait3A_75 = arith.constant 0 : i32
    %dma_wait3A_76 = tpu.memref_slice %arg5[%dma_wait3A_71, %dma_wait3A_75] : memref<6x96xi32, #tpu.memory_space<vmem>> -> memref<1x96xi32, #tpu.memory_space<vmem>>
    %dma_wait3A_77 = tpu.memref_squeeze %dma_wait3A_76 : memref<1x96xi32, #tpu.memory_space<vmem>> -> memref<96xi32, #tpu.memory_space<vmem>>
    %dma_wait3A_78 = arith.constant 0 : i32
    %dma_wait3A_79 = arith.constant 0 : i32
    %dma_wait3A_80 = tpu.memref_slice %arg2[%dma_wait3A_78, %dma_wait3A_79] : memref<9216x128xf32, #tpu.memory_space<hbm>> -> memref<9216x128xf32, #tpu.memory_space<hbm>>
    tpu.wait_indirect_dma semaphore(%arg7 : memref<!tpu.dma_semaphore, #tpu.memory_space<semaphore_mem>>) src(%dma_wait3A_80 : memref<9216x128xf32, #tpu.memory_space<hbm>>) dst(%dma_wait3A_74 : memref<96x128xf32, #tpu.memory_space<vmem>>)
    %dma_wait3A_81 = arith.constant 2 : i32
    %dma_wait3A_82 = arith.constant 192 : i32
    %dma_wait3A_83 = arith.constant 0 : i32
    %dma_wait3A_84 = tpu.memref_slice %arg6[%dma_wait3A_82, %dma_wait3A_83] : memref<576x128xf32, #tpu.memory_space<vmem>> -> memref<96x128xf32, #tpu.memory_space<vmem>>
    %dma_wait3A_85 = arith.constant 0 : i32
    %dma_wait3A_86 = tpu.memref_slice %arg5[%dma_wait3A_81, %dma_wait3A_85] : memref<6x96xi32, #tpu.memory_space<vmem>> -> memref<1x96xi32, #tpu.memory_space<vmem>>
    %dma_wait3A_87 = tpu.memref_squeeze %dma_wait3A_86 : memref<1x96xi32, #tpu.memory_space<vmem>> -> memref<96xi32, #tpu.memory_space<vmem>>
    %dma_wait3A_88 = arith.constant 0 : i32
    %dma_wait3A_89 = arith.constant 0 : i32
    %dma_wait3A_90 = tpu.memref_slice %arg2[%dma_wait3A_88, %dma_wait3A_89] : memref<9216x128xf32, #tpu.memory_space<hbm>> -> memref<9216x128xf32, #tpu.memory_space<hbm>>
    tpu.wait_indirect_dma semaphore(%arg7 : memref<!tpu.dma_semaphore, #tpu.memory_space<semaphore_mem>>) src(%dma_wait3A_90 : memref<9216x128xf32, #tpu.memory_space<hbm>>) dst(%dma_wait3A_84 : memref<96x128xf32, #tpu.memory_space<vmem>>)
    %dma_wait3A_91 = arith.constant 3 : i32
    %dma_wait3A_92 = arith.constant 288 : i32
    %dma_wait3A_93 = arith.constant 0 : i32
    %dma_wait3A_94 = tpu.memref_slice %arg6[%dma_wait3A_92, %dma_wait3A_93] : memref<576x128xf32, #tpu.memory_space<vmem>> -> memref<96x128xf32, #tpu.memory_space<vmem>>
    %dma_wait3A_95 = arith.constant 0 : i32
    %dma_wait3A_96 = tpu.memref_slice %arg5[%dma_wait3A_91, %dma_wait3A_95] : memref<6x96xi32, #tpu.memory_space<vmem>> -> memref<1x96xi32, #tpu.memory_space<vmem>>
    %dma_wait3A_97 = tpu.memref_squeeze %dma_wait3A_96 : memref<1x96xi32, #tpu.memory_space<vmem>> -> memref<96xi32, #tpu.memory_space<vmem>>
    %dma_wait3A_98 = arith.constant 0 : i32
    %dma_wait3A_99 = arith.constant 0 : i32
    %dma_wait3A_100 = tpu.memref_slice %arg2[%dma_wait3A_98, %dma_wait3A_99] : memref<9216x128xf32, #tpu.memory_space<hbm>> -> memref<9216x128xf32, #tpu.memory_space<hbm>>
    tpu.wait_indirect_dma semaphore(%arg7 : memref<!tpu.dma_semaphore, #tpu.memory_space<semaphore_mem>>) src(%dma_wait3A_100 : memref<9216x128xf32, #tpu.memory_space<hbm>>) dst(%dma_wait3A_94 : memref<96x128xf32, #tpu.memory_space<vmem>>)
    %dma_wait3A_101 = arith.constant 4 : i32
    %dma_wait3A_102 = arith.constant 384 : i32
    %dma_wait3A_103 = arith.constant 0 : i32
    %dma_wait3A_104 = tpu.memref_slice %arg6[%dma_wait3A_102, %dma_wait3A_103] : memref<576x128xf32, #tpu.memory_space<vmem>> -> memref<96x128xf32, #tpu.memory_space<vmem>>
    %dma_wait3A_105 = arith.constant 0 : i32
    %dma_wait3A_106 = tpu.memref_slice %arg5[%dma_wait3A_101, %dma_wait3A_105] : memref<6x96xi32, #tpu.memory_space<vmem>> -> memref<1x96xi32, #tpu.memory_space<vmem>>
    %dma_wait3A_107 = tpu.memref_squeeze %dma_wait3A_106 : memref<1x96xi32, #tpu.memory_space<vmem>> -> memref<96xi32, #tpu.memory_space<vmem>>
    %dma_wait3A_108 = arith.constant 0 : i32
    %dma_wait3A_109 = arith.constant 0 : i32
    %dma_wait3A_110 = tpu.memref_slice %arg2[%dma_wait3A_108, %dma_wait3A_109] : memref<9216x128xf32, #tpu.memory_space<hbm>> -> memref<9216x128xf32, #tpu.memory_space<hbm>>
    tpu.wait_indirect_dma semaphore(%arg7 : memref<!tpu.dma_semaphore, #tpu.memory_space<semaphore_mem>>) src(%dma_wait3A_110 : memref<9216x128xf32, #tpu.memory_space<hbm>>) dst(%dma_wait3A_104 : memref<96x128xf32, #tpu.memory_space<vmem>>)
    %dma_wait3A_111 = arith.constant 5 : i32
    %dma_wait3A_112 = arith.constant 480 : i32
    %dma_wait3A_113 = arith.constant 0 : i32
    %dma_wait3A_114 = tpu.memref_slice %arg6[%dma_wait3A_112, %dma_wait3A_113] : memref<576x128xf32, #tpu.memory_space<vmem>> -> memref<96x128xf32, #tpu.memory_space<vmem>>
    %dma_wait3A_115 = arith.constant 0 : i32
    %dma_wait3A_116 = tpu.memref_slice %arg5[%dma_wait3A_111, %dma_wait3A_115] : memref<6x96xi32, #tpu.memory_space<vmem>> -> memref<1x96xi32, #tpu.memory_space<vmem>>
    %dma_wait3A_117 = tpu.memref_squeeze %dma_wait3A_116 : memref<1x96xi32, #tpu.memory_space<vmem>> -> memref<96xi32, #tpu.memory_space<vmem>>
    %dma_wait3A_118 = arith.constant 0 : i32
    %dma_wait3A_119 = arith.constant 0 : i32
    %dma_wait3A_120 = tpu.memref_slice %arg2[%dma_wait3A_118, %dma_wait3A_119] : memref<9216x128xf32, #tpu.memory_space<hbm>> -> memref<9216x128xf32, #tpu.memory_space<hbm>>
    tpu.wait_indirect_dma semaphore(%arg7 : memref<!tpu.dma_semaphore, #tpu.memory_space<semaphore_mem>>) src(%dma_wait3A_120 : memref<9216x128xf32, #tpu.memory_space<hbm>>) dst(%dma_wait3A_114 : memref<96x128xf32, #tpu.memory_space<vmem>>)
    "tpu.region"() ({
      %run_scoped3A = tpu.sem_alloc : memref<!tpu.dma_semaphore, #tpu.memory_space<semaphore_mem>>
      %dma_start3A_121 = arith.constant 0 : i32
      %dma_start3A_122 = tpu.memref_slice %arg4[%mul3A_2, %dma_start3A_121] : memref<18432x128xf32, #tpu.memory_space<hbm>> -> memref<576x128xf32, #tpu.memory_space<hbm>>
      %dma_start3A_123 = arith.constant 0 : i32
      %dma_start3A_124 = tpu.memref_slice %arg4[%mul3A_2, %dma_start3A_123] : memref<18432x128xf32, #tpu.memory_space<hbm>> -> memref<576x128xf32, #tpu.memory_space<hbm>>
      tpu.enqueue_dma source(%arg6 : memref<576x128xf32, #tpu.memory_space<vmem>>) target(%dma_start3A_124 : memref<576x128xf32, #tpu.memory_space<hbm>>) target_semaphore(%run_scoped3A : memref<!tpu.dma_semaphore, #tpu.memory_space<semaphore_mem>>)
      %dma_wait3A_125 = arith.constant 0 : i32
      %dma_wait3A_126 = tpu.memref_slice %arg4[%mul3A_2, %dma_wait3A_125] : memref<18432x128xf32, #tpu.memory_space<hbm>> -> memref<576x128xf32, #tpu.memory_space<hbm>>
      %dma_wait3A_127 = arith.constant 0 : i32
      %dma_wait3A_128 = tpu.memref_slice %arg4[%mul3A_2, %dma_wait3A_127] : memref<18432x128xf32, #tpu.memory_space<hbm>> -> memref<576x128xf32, #tpu.memory_space<hbm>>
      tpu.wait_dma2 semaphore(%run_scoped3A : memref<!tpu.dma_semaphore, #tpu.memory_space<semaphore_mem>>) src(%arg6 : memref<576x128xf32, #tpu.memory_space<vmem>>) dst(%dma_wait3A_128 : memref<576x128xf32, #tpu.memory_space<hbm>>)
      tpu.yield
    }) : () -> ()
    return
  }
}

module attributes {stable_mosaic.version = 14 : i64} {
  func.func @_topk_body(%arg0: memref<18x128xf32, #tpu.memory_space<vmem>>, %arg1: memref<18x128xf32, #tpu.memory_space<vmem>>, %arg2: memref<4x18x128xf32, #tpu.memory_space<vmem>>, %arg3: memref<4x18x128xf32, #tpu.memory_space<vmem>>, %arg4: memref<2x18x128xi32, #tpu.memory_space<vmem>>) attributes {dimension_semantics = [], scalar_prefetch = 0 : i64, scratch_operands = 0 : i64, tpu.core_type = #tpu.core_type<tc>} {
    %get3A = arith.constant 0 : index
    %get3A_0 = arith.constant 0 : index
    %get3A_1 = vector.load %arg0[%get3A, %get3A_0] : memref<18x128xf32, #tpu.memory_space<vmem>>, vector<18x128xf32>
    %get3A_2 = arith.constant 0 : index
    %get3A_3 = arith.constant 0 : index
    %get3A_4 = vector.load %arg1[%get3A_2, %get3A_3] : memref<18x128xf32, #tpu.memory_space<vmem>>, vector<18x128xf32>
    %iota3A = tpu.iota {dimensions = array<i32: 0>} : vector<18x128xi32>
    %mul3A = arith.constant 128 : i32
    %mul3A_5 = vector.broadcast %mul3A : i32 to vector<18x128xi32>
    %mul3A_6 = arith.muli %iota3A, %mul3A_5 : vector<18x128xi32>
    %iota3A_7 = tpu.iota {dimensions = array<i32: 1>} : vector<18x128xi32>
    %add3A = arith.addi %mul3A_6, %iota3A_7 : vector<18x128xi32>
    %jit3A = arith.constant 48 : i32
    %eq3A = arith.constant 0 : i32
    %eq3A_8 = arith.cmpi eq, %jit3A, %eq3A : i32
    %jit3A_9 = arith.constant 1 : i32
    %select_n3A = arith.select %eq3A_8, %jit3A_9, %jit3A : i32
    %rem3A = vector.broadcast %select_n3A : i32 to vector<18x128xi32>
    %rem3A_10 = arith.remsi %add3A, %rem3A : vector<18x128xi32>
    %ne3A = arith.constant 0 : i32
    %ne3A_11 = vector.broadcast %ne3A : i32 to vector<18x128xi32>
    %ne3A_12 = arith.cmpi ne, %rem3A_10, %ne3A_11 : vector<18x128xi32>
    %lt3A = arith.constant 0 : i32
    %lt3A_13 = vector.broadcast %lt3A : i32 to vector<18x128xi32>
    %lt3A_14 = arith.cmpi slt, %rem3A_10, %lt3A_13 : vector<18x128xi32>
    %lt3A_15 = arith.constant 0 : i32
    %lt3A_16 = arith.cmpi slt, %select_n3A, %lt3A_15 : i32
    %ne3A_17 = vector.broadcast %lt3A_16 : i1 to vector<18x128xi1>
    %ne3A_18 = vector.broadcast %ne3A_17 : vector<18x128xi1> to vector<18x128xi1>
    %ne3A_19 = arith.xori %lt3A_14, %ne3A_18 : vector<18x128xi1>
    %and3A = arith.andi %ne3A_19, %ne3A_12 : vector<18x128xi1>
    %add3A_20 = vector.broadcast %select_n3A : i32 to vector<18x128xi32>
    %add3A_21 = arith.addi %rem3A_10, %add3A_20 : vector<18x128xi32>
    %select_n3A_22 = arith.select %and3A, %add3A_21, %rem3A_10 : vector<18x128xi1>, vector<18x128xi32>
    %ge3A = arith.constant 48 : i32
    %ge3A_23 = vector.broadcast %ge3A : i32 to vector<18x128xi32>
    %ge3A_24 = arith.cmpi sge, %add3A, %ge3A_23 : vector<18x128xi32>
    %gt3A = arith.constant 0 : i32
    %gt3A_25 = vector.broadcast %gt3A : i32 to vector<18x128xi32>
    %gt3A_26 = arith.cmpi sgt, %select_n3A_22, %gt3A_25 : vector<18x128xi32>
    %lt3A_27 = arith.constant 47 : i32
    %lt3A_28 = vector.broadcast %lt3A_27 : i32 to vector<18x128xi32>
    %lt3A_29 = arith.cmpi slt, %select_n3A_22, %lt3A_28 : vector<18x128xi32>
    %lt3A_30 = arith.constant 2256 : i32
    %lt3A_31 = vector.broadcast %lt3A_30 : i32 to vector<18x128xi32>
    %lt3A_32 = arith.cmpi slt, %add3A, %lt3A_31 : vector<18x128xi32>
    %get3A_33 = arith.constant 0 : index
    %get3A_34 = arith.constant 0 : index
    %get3A_35 = arith.constant 0 : index
    %get3A_36 = vector.load %arg2[%get3A_33, %get3A_34, %get3A_35] : memref<4x18x128xf32, #tpu.memory_space<vmem>>, vector<1x18x128xf32>
    %get3A_37 = vector.shape_cast %get3A_36 : vector<1x18x128xf32> to vector<18x128xf32>
    %sub3A = arith.subf %get3A_1, %get3A_37 : vector<18x128xf32>
    %get3A_38 = arith.constant 0 : index
    %get3A_39 = arith.constant 0 : index
    %get3A_40 = arith.constant 0 : index
    %get3A_41 = vector.load %arg3[%get3A_38, %get3A_39, %get3A_40] : memref<4x18x128xf32, #tpu.memory_space<vmem>>, vector<1x18x128xf32>
    %get3A_42 = vector.shape_cast %get3A_41 : vector<1x18x128xf32> to vector<18x128xf32>
    %sub3A_43 = arith.subf %get3A_4, %get3A_42 : vector<18x128xf32>
    %mul3A_44 = arith.mulf %sub3A, %sub3A : vector<18x128xf32>
    %mul3A_45 = arith.mulf %sub3A_43, %sub3A_43 : vector<18x128xf32>
    %add3A_46 = arith.addf %mul3A_44, %mul3A_45 : vector<18x128xf32>
    %add3A_47 = arith.constant 9.99999993E-9 : f32
    %add3A_48 = vector.broadcast %add3A_47 : f32 to vector<18x128xf32>
    %add3A_49 = arith.addf %add3A_46, %add3A_48 : vector<18x128xf32>
    %sqrt3A = math.sqrt %add3A_49 : vector<18x128xf32>
    %mul3A_50 = arith.mulf %sqrt3A, %sqrt3A : vector<18x128xf32>
    %neg3A = arith.constant 0.000000e+00 : f32
    %neg3A_51 = vector.broadcast %neg3A : f32 to vector<18x128xf32>
    %neg3A_52 = arith.subf %neg3A_51, %mul3A_50 : vector<18x128xf32>
    %div3A = arith.constant 2.000000e-02 : f32
    %div3A_53 = vector.broadcast %div3A : f32 to vector<18x128xf32>
    %div3A_54 = arith.divf %neg3A_52, %div3A_53 : vector<18x128xf32>
    %exp3A = math.exp %div3A_54 : vector<18x128xf32>
    %jit3A_55 = arith.constant -1.000000e+00 : f32
    %broadcast_in_dim3A = vector.broadcast %jit3A_55 : f32 to vector<18x128xf32>
    %select_n3A_56 = arith.select %ge3A_24, %exp3A, %broadcast_in_dim3A : vector<18x128xi1>, vector<18x128xf32>
    %add3A_57 = arith.constant -48 : i32
    %add3A_58 = vector.broadcast %add3A_57 : i32 to vector<18x128xi32>
    %add3A_59 = arith.addi %add3A, %add3A_58 : vector<18x128xi32>
    %get3A_60 = arith.constant 1 : index
    %get3A_61 = arith.constant 0 : index
    %get3A_62 = arith.constant 0 : index
    %get3A_63 = vector.load %arg2[%get3A_60, %get3A_61, %get3A_62] : memref<4x18x128xf32, #tpu.memory_space<vmem>>, vector<1x18x128xf32>
    %get3A_64 = vector.shape_cast %get3A_63 : vector<1x18x128xf32> to vector<18x128xf32>
    %sub3A_65 = arith.subf %get3A_1, %get3A_64 : vector<18x128xf32>
    %get3A_66 = arith.constant 1 : index
    %get3A_67 = arith.constant 0 : index
    %get3A_68 = arith.constant 0 : index
    %get3A_69 = vector.load %arg3[%get3A_66, %get3A_67, %get3A_68] : memref<4x18x128xf32, #tpu.memory_space<vmem>>, vector<1x18x128xf32>
    %get3A_70 = vector.shape_cast %get3A_69 : vector<1x18x128xf32> to vector<18x128xf32>
    %sub3A_71 = arith.subf %get3A_4, %get3A_70 : vector<18x128xf32>
    %mul3A_72 = arith.mulf %sub3A_65, %sub3A_65 : vector<18x128xf32>
    %mul3A_73 = arith.mulf %sub3A_71, %sub3A_71 : vector<18x128xf32>
    %add3A_74 = arith.addf %mul3A_72, %mul3A_73 : vector<18x128xf32>
    %add3A_75 = arith.constant 9.99999993E-9 : f32
    %add3A_76 = vector.broadcast %add3A_75 : f32 to vector<18x128xf32>
    %add3A_77 = arith.addf %add3A_74, %add3A_76 : vector<18x128xf32>
    %sqrt3A_78 = math.sqrt %add3A_77 : vector<18x128xf32>
    %mul3A_79 = arith.mulf %sqrt3A_78, %sqrt3A_78 : vector<18x128xf32>
    %neg3A_80 = arith.constant 0.000000e+00 : f32
    %neg3A_81 = vector.broadcast %neg3A_80 : f32 to vector<18x128xf32>
    %neg3A_82 = arith.subf %neg3A_81, %mul3A_79 : vector<18x128xf32>
    %div3A_83 = arith.constant 2.000000e-02 : f32
    %div3A_84 = vector.broadcast %div3A_83 : f32 to vector<18x128xf32>
    %div3A_85 = arith.divf %neg3A_82, %div3A_84 : vector<18x128xf32>
    %exp3A_86 = math.exp %div3A_85 : vector<18x128xf32>
    %jit3A_87 = arith.constant -1.000000e+00 : f32
    %broadcast_in_dim3A_88 = vector.broadcast %jit3A_87 : f32 to vector<18x128xf32>
    %select_n3A_89 = arith.select %gt3A_26, %exp3A_86, %broadcast_in_dim3A_88 : vector<18x128xi1>, vector<18x128xf32>
    %add3A_90 = arith.constant -1 : i32
    %add3A_91 = vector.broadcast %add3A_90 : i32 to vector<18x128xi32>
    %add3A_92 = arith.addi %add3A, %add3A_91 : vector<18x128xi32>
    %get3A_93 = arith.constant 2 : index
    %get3A_94 = arith.constant 0 : index
    %get3A_95 = arith.constant 0 : index
    %get3A_96 = vector.load %arg2[%get3A_93, %get3A_94, %get3A_95] : memref<4x18x128xf32, #tpu.memory_space<vmem>>, vector<1x18x128xf32>
    %get3A_97 = vector.shape_cast %get3A_96 : vector<1x18x128xf32> to vector<18x128xf32>
    %sub3A_98 = arith.subf %get3A_1, %get3A_97 : vector<18x128xf32>
    %get3A_99 = arith.constant 2 : index
    %get3A_100 = arith.constant 0 : index
    %get3A_101 = arith.constant 0 : index
    %get3A_102 = vector.load %arg3[%get3A_99, %get3A_100, %get3A_101] : memref<4x18x128xf32, #tpu.memory_space<vmem>>, vector<1x18x128xf32>
    %get3A_103 = vector.shape_cast %get3A_102 : vector<1x18x128xf32> to vector<18x128xf32>
    %sub3A_104 = arith.subf %get3A_4, %get3A_103 : vector<18x128xf32>
    %mul3A_105 = arith.mulf %sub3A_98, %sub3A_98 : vector<18x128xf32>
    %mul3A_106 = arith.mulf %sub3A_104, %sub3A_104 : vector<18x128xf32>
    %add3A_107 = arith.addf %mul3A_105, %mul3A_106 : vector<18x128xf32>
    %add3A_108 = arith.constant 9.99999993E-9 : f32
    %add3A_109 = vector.broadcast %add3A_108 : f32 to vector<18x128xf32>
    %add3A_110 = arith.addf %add3A_107, %add3A_109 : vector<18x128xf32>
    %sqrt3A_111 = math.sqrt %add3A_110 : vector<18x128xf32>
    %mul3A_112 = arith.mulf %sqrt3A_111, %sqrt3A_111 : vector<18x128xf32>
    %neg3A_113 = arith.constant 0.000000e+00 : f32
    %neg3A_114 = vector.broadcast %neg3A_113 : f32 to vector<18x128xf32>
    %neg3A_115 = arith.subf %neg3A_114, %mul3A_112 : vector<18x128xf32>
    %div3A_116 = arith.constant 2.000000e-02 : f32
    %div3A_117 = vector.broadcast %div3A_116 : f32 to vector<18x128xf32>
    %div3A_118 = arith.divf %neg3A_115, %div3A_117 : vector<18x128xf32>
    %exp3A_119 = math.exp %div3A_118 : vector<18x128xf32>
    %jit3A_120 = arith.constant -1.000000e+00 : f32
    %broadcast_in_dim3A_121 = vector.broadcast %jit3A_120 : f32 to vector<18x128xf32>
    %select_n3A_122 = arith.select %lt3A_29, %exp3A_119, %broadcast_in_dim3A_121 : vector<18x128xi1>, vector<18x128xf32>
    %add3A_123 = arith.constant 1 : i32
    %add3A_124 = vector.broadcast %add3A_123 : i32 to vector<18x128xi32>
    %add3A_125 = arith.addi %add3A, %add3A_124 : vector<18x128xi32>
    %get3A_126 = arith.constant 3 : index
    %get3A_127 = arith.constant 0 : index
    %get3A_128 = arith.constant 0 : index
    %get3A_129 = vector.load %arg2[%get3A_126, %get3A_127, %get3A_128] : memref<4x18x128xf32, #tpu.memory_space<vmem>>, vector<1x18x128xf32>
    %get3A_130 = vector.shape_cast %get3A_129 : vector<1x18x128xf32> to vector<18x128xf32>
    %sub3A_131 = arith.subf %get3A_1, %get3A_130 : vector<18x128xf32>
    %get3A_132 = arith.constant 3 : index
    %get3A_133 = arith.constant 0 : index
    %get3A_134 = arith.constant 0 : index
    %get3A_135 = vector.load %arg3[%get3A_132, %get3A_133, %get3A_134] : memref<4x18x128xf32, #tpu.memory_space<vmem>>, vector<1x18x128xf32>
    %get3A_136 = vector.shape_cast %get3A_135 : vector<1x18x128xf32> to vector<18x128xf32>
    %sub3A_137 = arith.subf %get3A_4, %get3A_136 : vector<18x128xf32>
    %mul3A_138 = arith.mulf %sub3A_131, %sub3A_131 : vector<18x128xf32>
    %mul3A_139 = arith.mulf %sub3A_137, %sub3A_137 : vector<18x128xf32>
    %add3A_140 = arith.addf %mul3A_138, %mul3A_139 : vector<18x128xf32>
    %add3A_141 = arith.constant 9.99999993E-9 : f32
    %add3A_142 = vector.broadcast %add3A_141 : f32 to vector<18x128xf32>
    %add3A_143 = arith.addf %add3A_140, %add3A_142 : vector<18x128xf32>
    %sqrt3A_144 = math.sqrt %add3A_143 : vector<18x128xf32>
    %mul3A_145 = arith.mulf %sqrt3A_144, %sqrt3A_144 : vector<18x128xf32>
    %neg3A_146 = arith.constant 0.000000e+00 : f32
    %neg3A_147 = vector.broadcast %neg3A_146 : f32 to vector<18x128xf32>
    %neg3A_148 = arith.subf %neg3A_147, %mul3A_145 : vector<18x128xf32>
    %div3A_149 = arith.constant 2.000000e-02 : f32
    %div3A_150 = vector.broadcast %div3A_149 : f32 to vector<18x128xf32>
    %div3A_151 = arith.divf %neg3A_148, %div3A_150 : vector<18x128xf32>
    %exp3A_152 = math.exp %div3A_151 : vector<18x128xf32>
    %jit3A_153 = arith.constant -1.000000e+00 : f32
    %broadcast_in_dim3A_154 = vector.broadcast %jit3A_153 : f32 to vector<18x128xf32>
    %select_n3A_155 = arith.select %lt3A_32, %exp3A_152, %broadcast_in_dim3A_154 : vector<18x128xi1>, vector<18x128xf32>
    %add3A_156 = arith.constant 48 : i32
    %add3A_157 = vector.broadcast %add3A_156 : i32 to vector<18x128xi32>
    %add3A_158 = arith.addi %add3A, %add3A_157 : vector<18x128xi32>
    %max3A = arith.maximumf %select_n3A_56, %select_n3A_89 : vector<18x128xf32>
    %max3A_159 = arith.maximumf %select_n3A_122, %select_n3A_155 : vector<18x128xf32>
    %max3A_160 = arith.maximumf %max3A, %max3A_159 : vector<18x128xf32>
    %eq3A_161 = arith.cmpf oeq, %select_n3A_56, %max3A_160 : vector<18x128xf32>
    %eq3A_162 = arith.cmpf oeq, %select_n3A_89, %max3A_160 : vector<18x128xf32>
    %eq3A_163 = arith.cmpf oeq, %select_n3A_122, %max3A_160 : vector<18x128xf32>
    %select_n3A_164 = arith.select %eq3A_163, %add3A_125, %add3A_158 : vector<18x128xi1>, vector<18x128xi32>
    %select_n3A_165 = arith.select %eq3A_162, %add3A_92, %select_n3A_164 : vector<18x128xi1>, vector<18x128xi32>
    %select_n3A_166 = arith.select %eq3A_161, %add3A_59, %select_n3A_165 : vector<18x128xi1>, vector<18x128xi32>
    %eq3A_167 = arith.cmpi eq, %add3A_59, %select_n3A_166 : vector<18x128xi32>
    %jit3A_168 = arith.constant -1.000000e+00 : f32
    %broadcast_in_dim3A_169 = vector.broadcast %jit3A_168 : f32 to vector<18x128xf32>
    %select_n3A_170 = arith.select %eq3A_167, %broadcast_in_dim3A_169, %select_n3A_56 : vector<18x128xi1>, vector<18x128xf32>
    %eq3A_171 = arith.cmpi eq, %add3A_92, %select_n3A_166 : vector<18x128xi32>
    %jit3A_172 = arith.constant -1.000000e+00 : f32
    %broadcast_in_dim3A_173 = vector.broadcast %jit3A_172 : f32 to vector<18x128xf32>
    %select_n3A_174 = arith.select %eq3A_171, %broadcast_in_dim3A_173, %select_n3A_89 : vector<18x128xi1>, vector<18x128xf32>
    %eq3A_175 = arith.cmpi eq, %add3A_125, %select_n3A_166 : vector<18x128xi32>
    %jit3A_176 = arith.constant -1.000000e+00 : f32
    %broadcast_in_dim3A_177 = vector.broadcast %jit3A_176 : f32 to vector<18x128xf32>
    %select_n3A_178 = arith.select %eq3A_175, %broadcast_in_dim3A_177, %select_n3A_122 : vector<18x128xi1>, vector<18x128xf32>
    %eq3A_179 = arith.cmpi eq, %add3A_158, %select_n3A_166 : vector<18x128xi32>
    %jit3A_180 = arith.constant -1.000000e+00 : f32
    %broadcast_in_dim3A_181 = vector.broadcast %jit3A_180 : f32 to vector<18x128xf32>
    %select_n3A_182 = arith.select %eq3A_179, %broadcast_in_dim3A_181, %select_n3A_155 : vector<18x128xi1>, vector<18x128xf32>
    %max3A_183 = arith.maximumf %select_n3A_170, %select_n3A_174 : vector<18x128xf32>
    %max3A_184 = arith.maximumf %select_n3A_178, %select_n3A_182 : vector<18x128xf32>
    %max3A_185 = arith.maximumf %max3A_183, %max3A_184 : vector<18x128xf32>
    %eq3A_186 = arith.cmpf oeq, %select_n3A_170, %max3A_185 : vector<18x128xf32>
    %eq3A_187 = arith.cmpf oeq, %select_n3A_174, %max3A_185 : vector<18x128xf32>
    %eq3A_188 = arith.cmpf oeq, %select_n3A_178, %max3A_185 : vector<18x128xf32>
    %select_n3A_189 = arith.select %eq3A_188, %add3A_125, %add3A_158 : vector<18x128xi1>, vector<18x128xi32>
    %select_n3A_190 = arith.select %eq3A_187, %add3A_92, %select_n3A_189 : vector<18x128xi1>, vector<18x128xi32>
    %select_n3A_191 = arith.select %eq3A_186, %add3A_59, %select_n3A_190 : vector<18x128xi1>, vector<18x128xi32>
    %swap3A = arith.constant 0 : index
    %swap3A_192 = arith.constant 0 : index
    %swap3A_193 = arith.constant 0 : index
    %swap3A_194 = vector.load %arg4[%swap3A, %swap3A_192, %swap3A_193] : memref<2x18x128xi32, #tpu.memory_space<vmem>>, vector<1x18x128xi32>
    %swap3A_195 = vector.shape_cast %swap3A_194 : vector<1x18x128xi32> to vector<18x128xi32>
    %swap3A_196 = vector.shape_cast %select_n3A_166 : vector<18x128xi32> to vector<1x18x128xi32>
    tpu.vector_store %arg4[%swap3A, %swap3A_192, %swap3A_193], %swap3A_196 {strides = array<i32>} : memref<2x18x128xi32, #tpu.memory_space<vmem>>, vector<1x18x128xi32>,
    %swap3A_197 = arith.constant 1 : index
    %swap3A_198 = arith.constant 0 : index
    %swap3A_199 = arith.constant 0 : index
    %swap3A_200 = vector.load %arg4[%swap3A_197, %swap3A_198, %swap3A_199] : memref<2x18x128xi32, #tpu.memory_space<vmem>>, vector<1x18x128xi32>
    %swap3A_201 = vector.shape_cast %swap3A_200 : vector<1x18x128xi32> to vector<18x128xi32>
    %swap3A_202 = vector.shape_cast %select_n3A_191 : vector<18x128xi32> to vector<1x18x128xi32>
    tpu.vector_store %arg4[%swap3A_197, %swap3A_198, %swap3A_199], %swap3A_202 {strides = array<i32>} : memref<2x18x128xi32, #tpu.memory_space<vmem>>, vector<1x18x128xi32>,
    return
  }
}

module attributes {stable_mosaic.version = 14 : i64} {
  func.func @_conv_body(%arg0: i32, %arg1: i32, %arg2: memref<1x2304x128xf32, #tpu.memory_space<vmem>>, %arg3: memref<1x2x2304x128xf32, #tpu.memory_space<vmem>>, %arg4: memref<128x128xf32, #tpu.memory_space<vmem>>, %arg5: memref<2x128x128xf32, #tpu.memory_space<vmem>>, %arg6: memref<128x1xf32, #tpu.memory_space<vmem>>, %arg7: memref<1x128x2304xf32, #tpu.memory_space<vmem>>) attributes {dimension_semantics = [#tpu.dimension_semantics<arbitrary>, #tpu.dimension_semantics<arbitrary>], iteration_bounds = array<i64: 4, 1>, scalar_prefetch = 0 : i64, scratch_operands = 0 : i64, tpu.core_type = #tpu.core_type<tc>, window_params = [{transform_indices = @transform_0, window_bounds = array<i64: 1, 2304, 128>}, {transform_indices = @transform_1, window_bounds = array<i64: 1, 2, 2304, 128>}, {pipeline_mode = #tpu.pipeline_mode<synchronous>, transform_indices = @transform_2, window_bounds = array<i64: 128, 128>}, {pipeline_mode = #tpu.pipeline_mode<synchronous>, transform_indices = @transform_3, window_bounds = array<i64: 2, 128, 128>}, {pipeline_mode = #tpu.pipeline_mode<synchronous>, transform_indices = @transform_4, window_bounds = array<i64: 128, 1>}, {transform_indices = @transform_5, window_bounds = array<i64: 1, 128, 2304>}]} {
    %get3A = arith.constant 0 : index
    %get3A_0 = arith.constant 0 : index
    %get3A_1 = arith.constant 0 : index
    %get3A_2 = vector.load %arg2[%get3A, %get3A_0, %get3A_1] : memref<1x2304x128xf32, #tpu.memory_space<vmem>>, vector<1x2304x128xf32>
    %get3A_3 = vector.shape_cast %get3A_2 : vector<1x2304x128xf32> to vector<2304x128xf32>
    %get3A_4 = arith.constant 0 : index
    %get3A_5 = arith.constant 0 : index
    %get3A_6 = arith.constant 0 : index
    %get3A_7 = arith.constant 0 : index
    %get3A_8 = vector.load %arg3[%get3A_4, %get3A_5, %get3A_6, %get3A_7] : memref<1x2x2304x128xf32, #tpu.memory_space<vmem>>, vector<1x1x2304x128xf32>
    %get3A_9 = vector.shape_cast %get3A_8 : vector<1x1x2304x128xf32> to vector<2304x128xf32>
    %get3A_10 = arith.constant 0 : index
    %get3A_11 = arith.constant 1 : index
    %get3A_12 = arith.constant 0 : index
    %get3A_13 = arith.constant 0 : index
    %get3A_14 = vector.load %arg3[%get3A_10, %get3A_11, %get3A_12, %get3A_13] : memref<1x2x2304x128xf32, #tpu.memory_space<vmem>>, vector<1x1x2304x128xf32>
    %get3A_15 = vector.shape_cast %get3A_14 : vector<1x1x2304x128xf32> to vector<2304x128xf32>
    %get3A_16 = arith.constant 0 : index
    %get3A_17 = arith.constant 0 : index
    %get3A_18 = vector.load %arg4[%get3A_16, %get3A_17] : memref<128x128xf32, #tpu.memory_space<vmem>>, vector<128x128xf32>
    %dot_general3A = arith.constant dense<0.000000e+00> : vector<128x2304xf32>
    %dot_general3A_19 = tpu.matmul %get3A_18, %get3A_3, %dot_general3A {dimension_numbers = #tpu.dot_dimension_numbers<[1], [1], [0], [0], [0, 0, 1, 0], [], []>, transpose_lhs_hint = false} : vector<128x128xf32>, vector<2304x128xf32>, vector<128x2304xf32> -> vector<128x2304xf32>
    %get3A_20 = arith.constant 0 : index
    %get3A_21 = arith.constant 0 : index
    %get3A_22 = arith.constant 0 : index
    %get3A_23 = vector.load %arg5[%get3A_20, %get3A_21, %get3A_22] : memref<2x128x128xf32, #tpu.memory_space<vmem>>, vector<1x128x128xf32>
    %get3A_24 = vector.shape_cast %get3A_23 : vector<1x128x128xf32> to vector<128x128xf32>
    %dot_general3A_25 = arith.constant dense<0.000000e+00> : vector<128x2304xf32>
    %dot_general3A_26 = tpu.matmul %get3A_24, %get3A_9, %dot_general3A_25 {dimension_numbers = #tpu.dot_dimension_numbers<[1], [1], [0], [0], [0, 0, 1, 0], [], []>, transpose_lhs_hint = false} : vector<128x128xf32>, vector<2304x128xf32>, vector<128x2304xf32> -> vector<128x2304xf32>
    %add3A = arith.addf %dot_general3A_19, %dot_general3A_26 : vector<128x2304xf32>
    %get3A_27 = arith.constant 1 : index
    %get3A_28 = arith.constant 0 : index
    %get3A_29 = arith.constant 0 : index
    %get3A_30 = vector.load %arg5[%get3A_27, %get3A_28, %get3A_29] : memref<2x128x128xf32, #tpu.memory_space<vmem>>, vector<1x128x128xf32>
    %get3A_31 = vector.shape_cast %get3A_30 : vector<1x128x128xf32> to vector<128x128xf32>
    %dot_general3A_32 = arith.constant dense<0.000000e+00> : vector<128x2304xf32>
    %dot_general3A_33 = tpu.matmul %get3A_31, %get3A_15, %dot_general3A_32 {dimension_numbers = #tpu.dot_dimension_numbers<[1], [1], [0], [0], [0, 0, 1, 0], [], []>, transpose_lhs_hint = false} : vector<128x128xf32>, vector<2304x128xf32>, vector<128x2304xf32> -> vector<128x2304xf32>
    %add3A_34 = arith.addf %add3A, %dot_general3A_33 : vector<128x2304xf32>
    %get3A_35 = arith.constant 0 : index
    %get3A_36 = arith.constant 0 : index
    %get3A_37 = vector.load %arg6[%get3A_35, %get3A_36] : memref<128x1xf32, #tpu.memory_space<vmem>>, vector<128x1xf32>
    %add3A_38 = vector.broadcast %get3A_37 : vector<128x1xf32> to vector<128x2304xf32>
    %add3A_39 = arith.addf %add3A_34, %add3A_38 : vector<128x2304xf32>
    %swap3A = arith.constant 0 : index
    %swap3A_40 = arith.constant 0 : index
    %swap3A_41 = arith.constant 0 : index
    %swap3A_42 = vector.load %arg7[%swap3A, %swap3A_40, %swap3A_41] : memref<1x128x2304xf32, #tpu.memory_space<vmem>>, vector<1x128x2304xf32>
    %swap3A_43 = vector.shape_cast %swap3A_42 : vector<1x128x2304xf32> to vector<128x2304xf32>
    %swap3A_44 = vector.shape_cast %add3A_39 : vector<128x2304xf32> to vector<1x128x2304xf32>
    tpu.vector_store %arg7[%swap3A, %swap3A_40, %swap3A_41], %swap3A_44 {strides = array<i32>} : memref<1x128x2304xf32, #tpu.memory_space<vmem>>, vector<1x128x2304xf32>,
    return
  }
  func.func @transform_0(%arg0: i32, %arg1: i32) -> (i32, i32, i32) {
    %c0_i32 = arith.constant 0 : i32
    %c0_i32_0 = arith.constant 0 : i32
    return %arg0, %arg1, %c0_i32 : i32, i32, i32
  }
  func.func @transform_1(%arg0: i32, %arg1: i32) -> (i32, i32, i32, i32) {
    %c0_i32 = arith.constant 0 : i32
    %c0_i32_0 = arith.constant 0 : i32
    %c0_i32_1 = arith.constant 0 : i32
    return %arg0, %c0_i32, %arg1, %c0_i32_0 : i32, i32, i32, i32
  }
  func.func @transform_2(%arg0: i32, %arg1: i32) -> (i32, i32) {
    %c0_i32 = arith.constant 0 : i32
    %c0_i32_0 = arith.constant 0 : i32
    %c0_i32_1 = arith.constant 0 : i32
    return %c0_i32, %c0_i32_0 : i32, i32
  }
  func.func @transform_3(%arg0: i32, %arg1: i32) -> (i32, i32, i32) {
    %c0_i32 = arith.constant 0 : i32
    %c0_i32_0 = arith.constant 0 : i32
    %c0_i32_1 = arith.constant 0 : i32
    %c0_i32_2 = arith.constant 0 : i32
    return %c0_i32, %c0_i32_0, %c0_i32_1 : i32, i32, i32
  }
  func.func @transform_4(%arg0: i32, %arg1: i32) -> (i32, i32) {
    %c0_i32 = arith.constant 0 : i32
    %c0_i32_0 = arith.constant 0 : i32
    %c0_i32_1 = arith.constant 0 : i32
    return %c0_i32, %c0_i32_0 : i32, i32
  }
  func.func @transform_5(%arg0: i32, %arg1: i32) -> (i32, i32, i32) {
    %c0_i32 = arith.constant 0 : i32
    %c0_i32_0 = arith.constant 0 : i32
    return %arg0, %c0_i32, %arg1 : i32, i32, i32
  }
}

</mosaic_0001>

<sc_bundles>
// kernel: kernel.5.cloned.1.call-start
scs
__scs_entry_jumppad:
0x0: {  	(pc) =	sbr.rel $0x88, $3  }
0x1: {  	(tag) =	ssettag $0x0;
	lr =	simm.s32 $0x1  }
0x2: {  	[smem:$0x3F9E] =	sst lr;
	_ =	strace $0xD0000000  }
0x3: {  	_ = 	snop  }
0x4: {  	_ = 	snop  }
0x5: {  	_ = 	snop  }
0x6: {  	_ = 	snop  }
0x7: {  	_ = 	snop  }
__scs_overlays_trampoline_lowered:
0x8: {  	[smem:$0x3FAD] =	sst s0  }
0x9: {  	[smem:$0x3FAE] =	sst s1  }
0xa: {  	[smem:$0x3FAF] =	sst s2  }
0xb: {  	[smem:$0x3FB0] =	sst s3  }
0xc: {  	[smem:$0x3FB1] =	sst s4  }
0xd: {  	[smem:$0x3FB2] =	sst s5  }
0xe: {  	[smem:$0x3FB3] =	sst s6  }
0xf: {  	[smem:$0x3FB4] =	sst s7  }
0x10: {  	[smem:$0x3FB5] =	sst s8  }
0x11: {  	[smem:$0x3FB6] =	sst s9;
	s0 =	simm.s32 @!p0 $0x0  }
0x12: {  	s1 =	sld [smem:$0x3F9C];
	s0 =	simm.s32 @p0 $0x1  }
0x13: {  	[smem:$0x3FB7] =	sst s0;
	s0 =	simm.s32 @!p1 $0x0  }
0x14: {  	s2 =	sld [smem:$0x3F9B];
	s0 =	simm.s32 @p1 $0x1  }
0x15: {  	[smem:$0x3FB8] =	sst s0;
	s0 =	simm.s32 @!p2 $0x0  }
0x16: {  	s3 =	sld [smem:$0x3FDB];
	s0 =	simm.s32 @p2 $0x1  }
0x17: {  	s4 =	simm.s32 $0x1BF5;
	[smem:$0x3FBA] =	sst s0  }
0x18: {  	s0 =	sld [smem:$0x3F9D];
	_ =	swait.ge [sflag:s4], $0x0  }
0x19: {  	s7 =	sld [smem:$0x3F9E]  }
0x1a: {  	s8 =	sadd.s32 $0xFFFFE003, lr  }
0x1b: {  	s9 =	sadd.s32 $0xFFFFFEF7, lr;
	s5 =	simm.s32 $0xFFFFFFFF;
	p2 =	slt.u32 s8, $0xFFFFF086  }
0x1c: {  	p1 =	slt.u32 s9, $0xF7A;
	s5 =	simm.s32 @!p2 $0x0  }
0x1d: {  	s5 =	simm.s32 @p1 $0x1;
	p0 =	seq.s32 s7, s2  }
0x1e: {  	s7 =	smul.u32 @!p0 $0xF7A, s2;
	p2 =	seq.s32 @!p0 s5, $0x0  }
0x1f: {  	s9 =	smul.u32 $0xF7A, s1;
	s8 =	simm.s32 @!p0 $0x1BF5;
	p2 =	por !p2, p0  }
0x20: {  	[sflag:s8] =	ssyncset.s32 @!p0 $0xFFFFF086;
	s6 =	sadd.s32 @!p0 s3, s7;
	s7 =	simm.s32 @!p0 $0x108  }
0x21: {  	s3 =	sadd.s32 s3, s9;
	s6 =	sadd.s32 @!p0 $0x88, s6;
	s7 =	simm.s32 @p2 $0x1082  }
0x22: {  	[simem:s7], [sflag:s8] =	dma.local @!p0 [hbm:s6], $0xF7A  }
0x23: {  	s9 =	sor.u32 $0xD0000000, s2;
	s6 =	simm.s32 $0x108;
	_ =	swait.ge @!p0 [sflag:s8], $0x0  }
0x24: {  	s3 =	sadd.s32 $0x88, s3;
	s6 =	simm.s32 @!p1 $0x1082;
	[sflag:s4] =	ssyncset.s32 $0xFFFFF086  }
0x25: {  	[simem:s6], [sflag:s4] =	dma.local [hbm:s3], $0xF7A  }
0x26: {  	[smem:$0x3F9E] =	sst s1;
	(tag) =	ssettag s2;
	_ =	strace s9  }
0x27: {  	s1 =	sld [smem:$0x3FAE]  }
0x28: {  	s2 =	sld [smem:$0x3FAF]  }
0x29: {  	s4 =	sld [smem:$0x3FB1]  }
0x2a: {  	p0 =	seq.s32 s5, $0x0;
	s5 =	sld [smem:$0x3FB2]  }
0x2b: {  	s6 =	sld [smem:$0x3FB3]  }
0x2c: {  	s7 =	sld [smem:$0x3FB4]  }
0x2d: {  	s3 =	simm.s32 $0x108;
	s8 =	sld [smem:$0x3FB5]  }
0x2e: {  	s3 =	simm.s32 @!p0 $0x1082;
	s9 =	sld [smem:$0x3FB6]  }
0x2f: {  	lr =	sadd.s32 s0, s3;
	s0 =	sld [smem:$0x3FAD]  }
0x30: {  	s3 =	sld [smem:$0x3FB0]  }
0x31: {  	[smem:$0x3FB9] =	sst s10  }
0x32: {  	s10 =	sld [smem:$0x3FB7];
	_ =	sdelay $0x3  }
0x33: {  	p0 =	seq.s32 s10, $0x1;
	s10 =	sld [smem:$0x3FB9];
	_ =	sdelay $0x3  }
0x34: {  	[smem:$0x3FB9] =	sst s10  }
0x35: {  	s10 =	sld [smem:$0x3FB8];
	_ =	sdelay $0x3  }
0x36: {  	p1 =	seq.s32 s10, $0x1;
	s10 =	sld [smem:$0x3FB9];
	_ =	sdelay $0x3  }
0x37: {  	[smem:$0x3FB9] =	sst s10  }
0x38: {  	s10 =	sld [smem:$0x3FBA]  }
0x39: {  	_ = 	snop;
	(pc) =	sbr.ind lr, $3  }
0x3a: {  	_ = 	snop  }
0x3b: {  	_ = 	snop  }
0x3c: {  	p2 =	seq.s32 s10, $0x1;
	s10 =	sld [smem:$0x3FB9]  }
0x3d: {  	_ =	shalt  }
0x3e: {  	_ =	shalt  }
0x3f: {  	_ =	shalt  }
0x40: {  	_ =	shalt  }
0x41: {  	_ =	shalt  }
0x42: {  	_ =	shalt  }
0x43: {  	_ =	shalt  }
0x44: {  	_ =	shalt  }
0x45: {  	_ =	shalt  }
0x46: {  	_ =	shalt  }
0x47: {  	_ =	shalt  }
0x48: {  	_ =	shalt  }
0x49: {  	_ =	shalt  }
0x4a: {  	_ =	shalt  }
0x4b: {  	_ =	shalt  }
0x4c: {  	_ =	shalt  }
0x4d: {  	_ =	shalt  }
0x4e: {  	_ =	shalt  }
0x4f: {  	_ =	shalt  }
0x50: {  	_ =	shalt  }
0x51: {  	_ =	shalt  }
0x52: {  	_ =	shalt  }
0x53: {  	_ =	shalt  }
0x54: {  	_ =	shalt  }
0x55: {  	_ =	shalt  }
0x56: {  	_ =	shalt  }
0x57: {  	_ =	shalt  }
0x58: {  	_ =	shalt  }
0x59: {  	_ =	shalt  }
0x5a: {  	_ =	shalt  }
0x5b: {  	_ =	shalt  }
0x5c: {  	_ =	shalt  }
0x5d: {  	_ =	shalt  }
0x5e: {  	_ =	shalt  }
0x5f: {  	_ =	shalt  }
0x60: {  	_ =	shalt  }
0x61: {  	_ =	shalt  }
0x62: {  	_ =	shalt  }
0x63: {  	_ =	shalt  }
0x64: {  	_ =	shalt  }
0x65: {  	_ =	shalt  }
0x66: {  	_ =	shalt  }
0x67: {  	_ =	shalt  }
0x68: {  	_ =	shalt  }
0x69: {  	_ =	shalt  }
0x6a: {  	_ =	shalt  }
0x6b: {  	_ =	shalt  }
0x6c: {  	_ =	shalt  }
0x6d: {  	_ =	shalt  }
0x6e: {  	_ =	shalt  }
0x6f: {  	_ =	shalt  }
0x70: {  	_ =	shalt  }
0x71: {  	_ =	shalt  }
0x72: {  	_ =	shalt  }
0x73: {  	_ =	shalt  }
0x74: {  	_ =	shalt  }
0x75: {  	_ =	shalt  }
0x76: {  	_ =	shalt  }
0x77: {  	_ =	shalt  }
0x78: {  	_ =	shalt  }
0x79: {  	_ =	shalt  }
0x7a: {  	_ =	shalt  }
0x7b: {  	_ =	shalt  }
0x7c: {  	_ =	shalt  }
0x7d: {  	_ =	shalt  }
0x7e: {  	_ =	shalt  }
0x7f: {  	_ =	shalt  }
0x80: {  	_ =	shalt  }
0x81: {  	_ =	shalt  }
0x82: {  	_ =	shalt  }
0x83: {  	_ =	shalt  }
0x84: {  	_ =	shalt  }
0x85: {  	_ =	shalt  }
0x86: {  	_ =	shalt  }
0x87: {  	_ =	shalt  }
.Lfunc_end0:
.L_simem_size_0:
called_computation_lowered:
.L_overlay_start_0:
0x88: {  	s2 =	sld [smem:$0x3FD9]  }
0x89: {  	s3 =	sld [smem:$0x3FFE];
	_ =	sdelay $0x1  }
0x8a: {  	s1 =	srdreg.scid  }
0x8b: {  	s0 =	sand.u32 $0x1, s1  }
0x8c: {  	s17 =	sshll.u32 s0, $0xA;
	s2 =	sadd.s32 s3, s2  }
0x8d: {  	s2 =	sadd.s32 s2, s17  }
0x8e: {  	[smem:$0x3FC5] =	sst s2  }
0x8f: {  	_ = 	snop  }
0x90: {  	s2 =	sld [smem:$0x3FC9]  }
0x91: {  	s18 =	sld [smem:$0x3FD0];
	(tm) =	ssettm $0x1  }
0x92: {  	s4 =	sld [smem:$0x3FFB];
	_ =	sdelay $0x3  }
0x93: {  	_ =	strace s4  }
0x94: {  	s4 =	sld [smem:$0x3FFC];
	_ =	sdelay $0x3  }
0x95: {  	_ =	strace s4  }
0x96: {  	s4 =	sld [smem:$0x3FFD];
	_ =	sdelay $0x3  }
0x97: {  	_ =	strace s4  }
0x98: {  	_ =	strace $0x8FFFFFFF  }
0x99: {  	s19 =	sld [smem:$0x3FDB];
	_ =	sdelay $0x1  }
0x9a: {  	s5 =	simm.s32 $_scs_section_size  }
0x9b: {  	s6 =	simm.s32 $_size__tile_overlayer_lowered;
	s7 =	simm.s32 $_tile_overlayer_lowered  }
0x9c: {  	s22 =	simm.s32 $0x1BFF;
	s21 =	sshll.u32 s7, $0x1;
	s4 =	sadd.s32 s5, s19  }
0x9d: {  	s8 =	simm.s32 $0x0;
	s20 =	sshll.u32 s6, $0x1;
	s6 =	sadd.s32 s21, s4  }
0x9e: {  	[timem:s8], [sflag:s22] =	dma.local [hbm:s6], s20  }
0x9f: {  	_ =	swait.ge [sflag:s22], s20  }
0xa0: {  	s5 =	ssub.s32 $0x0, s20;
	[sflag:s22] =	ssyncset.done $0x0  }
0xa1: {  	[sflag:s22] =	ssyncadd.s32 s5;
	_ =	sdelay $0x1  }
0xa2: {  	s23 =	simm.s32 $0x1B8B  }
0xa3: {  	_ =	swait.ge [sflag:s23], $0x1  }
0xa4: {  	[sflag:s23] =	ssyncset.done $0x0  }
0xa5: {  	s25 =	simm.s32 $0x1B8E;
	s24 =	sld [smem:$0x3FFE];
	[sflag:s23] =	ssyncadd.s32 $0xFFFFFFFF  }
0xa6: {  	s26 =	simm.s32 $execute0_lowered;
	[smem:$0x3FD2] =	sst s25  }
0xa7: {  	s6 =	sshll.u32 s26, $0x1;
	_ =	strace $0x80000046;
	[dreg:$0x1] =	wrdreg $0xFFFFFFFF  }
0xa8: {  	s28 =	simm.s32 $_size_execute0_lowered;
	s4 =	sadd.s32 s4, s6;
	[dreg:$0x0] =	wrdreg $0x0  }
0xa9: {  	s6 =	sshll.u32 s28, $0x1;
	[dreg:$0x2] =	wrdreg s4  }
0xaa: {  	[dreg:$0x3] =	wrdreg s6  }
0xab: {  	[dreg:$0x4] =	wrdreg $0xC0  }
0xac: {  	_ =	task [dreg:s8], $0x5FFFF  }
0xad: {  	[dreg:$0x1] =	wrdreg $0xFFFFFFFF  }
0xae: {  	[dreg:$0x0] =	wrdreg $0x60  }
0xaf: {  	[dreg:$0x2] =	wrdreg s2  }
0xb0: {  	[dreg:$0x3] =	wrdreg s18  }
0xb1: {  	[dreg:$0x4] =	wrdreg s24  }
0xb2: {  	[dreg:$0x5] =	wrdreg $0x9  }
0xb3: {  	_ =	task.clear_ibuf [dreg:s8], $0x6FFFF;
	_ =	strace $0x90000046  }
0xb4: {  	s29 =	simm.s32 $0x9;
	_ =	strace $0x80000048  }
0xb5: {  	_ =	swait.ge [sflag:s29], $0x1  }
0xb6: {  	[sflag:s29] =	ssyncadd.s32 $0xFFFFFFFF  }
0xb7: {  	_ =	strace $0x90000048  }
0xb8: {  	_ =	sfence  }
0xb9: {  	s30 =	sld [smem:$0x0];
	_ =	sdelay $0x2  }
0xba: {  	s31 =	sshll.u32 s1, $0xD;
	s1 =	sshrl.u32 s1, $0x2  }
0xbb: {  	s3 =	sand.u32 $0x4000, s31;
	s1 =	sadd.s32 s1, s30  }
0xbc: {  	s0 =	sor.u32 s3, s0;
	s1 =	sshll.u32 s1, $0x11  }
0xbd: {  	s0 =	sor.u32 s1, s0  }
0xbe: {  	s0 =	sadd.s32 $0x8F2B, s0  }
0xbf: {  	[sflag:s0] =	ssyncadd.remote.s32 $0x1  }
0xc0: {  	_ =	sfence.sel $0xFFFF  }
0xc1: {  	[dreg:$0x0] =	wrdreg $0xFFFFFFFF;
	(pc) =	sbr.abs _section_cstart, $3  }
0xc2: {  	[dreg:$0x1] =	wrdreg $0xFFFFFFFF  }
0xc3: {  	_ =	task.clear_ibuf [dreg:s8], $0x2FFFF;
	_ =	strace $0x9FFFFFFF  }
0xc4: {  	(tm) =	ssettm $0x7FFFFFFF  }
0xc5: {  	_ =	shalt  }
tec
execute0_lowered:
.L_overlay_start_1:
0x0: {  	(tag) =	ssettag $0x1  }
0x1: {  	s2 =	rddreg [dreg:$0x0]  }
0x2: {  	s4 =	rddreg [dreg:$0x1]  }
0x3: {  	s1 =	srdreg.scid;
	s0 =	stileid.u32  }
0x4: {  	s19 =	rddreg [dreg:$0x2];
	s20 =	sand.u32 $0x1, s1;
	s5 =	sshll.u32 s0, $0x1  }
0x5: {  	s3 =	simm.s32 $0x0;
	s1 =	rddreg [dreg:$0x3];
	s21 =	sor.u32 s20, s5  }
0x6: {  	[smem:$0x7FF] =	sst s3;
	s5 =	sshll.u32 s21, $0x7  }
0x7: {  	_ =	strace $0x80000047;
	s5 =	sadd.s32 s4, s5;
	s4 =	simm.s32 $0x2  }
0x8: {  	[tilespmem:s3], [sflag:$0x2] =	stream.linear.gather [hbm4b:s5+s3], $0x300, $0x38;
	[tilespmem:$0x12400] =	vst v63  }
0x9: {  	_ =	swait.ge [sflag:s4], $0x300  }
0xa: {  	[sflag:s4] =	ssyncset.done $0x0  }
0xb: {  	s6 =	simm.s32 $0x60;
	s7 =	simm.s32 $0x400;
	[sflag:s4] =	ssyncadd.s32 $0xFFFFFD00  }
0xc: {  	[tilespmem:s7], [sflag:$0x1] =	stream.indirect.gather [hbm4b:s2+s6], $0x80, s3, s6, $0xb8;
	[tilespmem:$0x12400] =	vst v63  }
0xd: {  	s8 =	simm.s32 $0x80;
	s9 =	simm.s32 $0x3400  }
0xe: {  	[tilespmem:s9], [sflag:$0x1] =	stream.indirect.gather [hbm4b:s2+s6], $0x80, s8, s6, $0xb8;
	[tilespmem:$0x12400] =	vst v63  }
0xf: {  	s10 =	simm.s32 $0x100;
	s11 =	simm.s32 $0x6400  }
0x10: {  	[tilespmem:s11], [sflag:$0x1] =	stream.indirect.gather [hbm4b:s2+s6], $0x80, s10, s6, $0xb8;
	[tilespmem:$0x12400] =	vst v63  }
0x11: {  	s12 =	simm.s32 $0x180;
	s13 =	simm.s32 $0x9400  }
0x12: {  	[tilespmem:s13], [sflag:$0x1] =	stream.indirect.gather [hbm4b:s2+s6], $0x80, s12, s6, $0xb8;
	[tilespmem:$0x12400] =	vst v63  }
0x13: {  	s14 =	simm.s32 $0x200;
	s15 =	simm.s32 $0xC400  }
0x14: {  	[tilespmem:s15], [sflag:$0x1] =	stream.indirect.gather [hbm4b:s2+s6], $0x80, s14, s6, $0xb8;
	[tilespmem:$0x12400] =	vst v63  }
0x15: {  	s16 =	simm.s32 $0x280;
	s17 =	simm.s32 $0xF400;
	s18 =	simm.s32 $0x1  }
0x16: {  	[tilespmem:s17], [sflag:$0x1] =	stream.indirect.gather [hbm4b:s2+s6], $0x80, s16, s6, $0xb8;
	[tilespmem:$0x12400] =	vst v63  }
0x17: {  	_ =	swait.ge [sflag:s18], $0x3000  }
0x18: {  	[sflag:s18] =	ssyncset.done $0x0  }
0x19: {  	[sflag:s18] =	ssyncadd.s32 $0xFFFFD000  }
0x1a: {  	_ =	swait.ge [sflag:s18], $0x3000  }
0x1b: {  	[sflag:s18] =	ssyncset.done $0x0  }
0x1c: {  	[sflag:s18] =	ssyncadd.s32 $0xFFFFD000  }
0x1d: {  	_ =	swait.ge [sflag:s18], $0x3000  }
0x1e: {  	[sflag:s18] =	ssyncset.done $0x0  }
0x1f: {  	[sflag:s18] =	ssyncadd.s32 $0xFFFFD000  }
0x20: {  	_ =	swait.ge [sflag:s18], $0x3000  }
0x21: {  	[sflag:s18] =	ssyncset.done $0x0  }
0x22: {  	s20 =	ssub.s32 $0x2, s20;
	[sflag:s18] =	ssyncadd.s32 $0xFFFFD000  }
0x23: {  	s22 =	sshrl.u32 s20, $0x1;
	_ =	swait.ge [sflag:s18], $0x3000  }
0x24: {  	s20 =	ssub.s32 s20, s22;
	[sflag:s18] =	ssyncset.done $0x0  }
0x25: {  	s21 =	smul.u32 $0x2400, s21;
	s20 =	smax.u32 s20, $0x1;
	[sflag:s18] =	ssyncadd.s32 $0xFFFFD000  }
0x26: {  	p0 =	sne.s32 s20, $0x1;
	_ =	swait.ge [sflag:s18], $0x3000  }
.Ltmp0:
0x27: {  	s19 =	sadd.s32 s21, s19;
	[sflag:s18] =	ssyncset.done $0x0;
	(pc) =	sbr.rel @!p0 .LBB2_2-.Ltmp0, $4  }
0x28: {  	s19 =	sadd.s32 $0x1C00, s19;
	[sflag:s18] =	ssyncadd.s32 $0xFFFFD000  }
0x29: {  	[hbm4b:s19+s3] =	stream.linear.scatter [tilespmem:s7], [sflag:$0x2], $0x12000, $0x38;
	[tilespmem:$0x12400] =	vst v63  }
0x2a: {  	_ =	swait.ge [sflag:s4], $0x12000  }
0x2b: {  	s20 =	sadd.s32 $0xFFFFFFFF, s20;
	[sflag:s4] =	ssyncset.done $0x0  }
.LBB2_1:
0x2c: {  	p0 =	sne.s32 s20, $0x1;
	s20 =	sadd.s32 $0xFFFFFFFF, s20;
	[sflag:s4] =	ssyncadd.s32 $0xFFFEE000  }
0x2d: {  	[tilespmem:s3], [sflag:$0x2] =	stream.linear.gather [hbm4b:s5+s3], $0x300, $0x38;
	[tilespmem:$0x12400] =	vst v63  }
0x2e: {  	_ =	swait.ge [sflag:s4], $0x300  }
0x2f: {  	[sflag:s4] =	ssyncset.done $0x0  }
0x30: {  	[sflag:s4] =	ssyncadd.s32 $0xFFFFFD00  }
0x31: {  	[tilespmem:s7], [sflag:$0x1] =	stream.indirect.gather [hbm4b:s2+s6], $0x80, s3, s6, $0xb8;
	[tilespmem:$0x12400] =	vst v63  }
0x32: {  	_ = 	snop  }
0x33: {  	[tilespmem:s9], [sflag:$0x1] =	stream.indirect.gather [hbm4b:s2+s6], $0x80, s8, s6, $0xb8;
	[tilespmem:$0x12400] =	vst v63  }
0x34: {  	_ = 	snop  }
0x35: {  	[tilespmem:s11], [sflag:$0x1] =	stream.indirect.gather [hbm4b:s2+s6], $0x80, s10, s6, $0xb8;
	[tilespmem:$0x12400] =	vst v63  }
0x36: {  	_ = 	snop  }
0x37: {  	[tilespmem:s13], [sflag:$0x1] =	stream.indirect.gather [hbm4b:s2+s6], $0x80, s12, s6, $0xb8;
	[tilespmem:$0x12400] =	vst v63  }
0x38: {  	_ = 	snop  }
0x39: {  	[tilespmem:s15], [sflag:$0x1] =	stream.indirect.gather [hbm4b:s2+s6], $0x80, s14, s6, $0xb8;
	[tilespmem:$0x12400] =	vst v63  }
0x3a: {  	_ = 	snop  }
0x3b: {  	[tilespmem:s17], [sflag:$0x1] =	stream.indirect.gather [hbm4b:s2+s6], $0x80, s16, s6, $0xb8;
	[tilespmem:$0x12400] =	vst v63  }
0x3c: {  	_ =	swait.ge [sflag:s18], $0x3000  }
0x3d: {  	[sflag:s18] =	ssyncset.done $0x0  }
0x3e: {  	[sflag:s18] =	ssyncadd.s32 $0xFFFFD000  }
0x3f: {  	_ =	swait.ge [sflag:s18], $0x3000  }
0x40: {  	[sflag:s18] =	ssyncset.done $0x0  }
0x41: {  	[sflag:s18] =	ssyncadd.s32 $0xFFFFD000  }
0x42: {  	_ =	swait.ge [sflag:s18], $0x3000  }
0x43: {  	[sflag:s18] =	ssyncset.done $0x0  }
0x44: {  	[sflag:s18] =	ssyncadd.s32 $0xFFFFD000  }
0x45: {  	_ =	swait.ge [sflag:s18], $0x3000  }
0x46: {  	[sflag:s18] =	ssyncset.done $0x0  }
0x47: {  	[sflag:s18] =	ssyncadd.s32 $0xFFFFD000  }
0x48: {  	_ =	swait.ge [sflag:s18], $0x3000  }
0x49: {  	[sflag:s18] =	ssyncset.done $0x0  }
0x4a: {  	[sflag:s18] =	ssyncadd.s32 $0xFFFFD000  }
0x4b: {  	_ =	swait.ge [sflag:s18], $0x3000  }
.Ltmp1:
0x4c: {  	[sflag:s18] =	ssyncset.done $0x0;
	(pc) =	sbr.rel @p0 .LBB2_1-.Ltmp1, $4  }
0x4d: {  	[sflag:s18] =	ssyncadd.s32 $0xFFFFD000  }
0x4e: {  	[hbm4b:s19+s3] =	stream.linear.scatter [tilespmem:s7], [sflag:$0x2], $0x12000, $0x38;
	[tilespmem:$0x12400] =	vst v63  }
0x4f: {  	_ =	swait.ge [sflag:s4], $0x12000  }
0x50: {  	[sflag:s4] =	ssyncset.done $0x0  }
.LBB2_2:
0x51: {  	[sflag:s4] =	ssyncadd.s32 $0xFFFEE000  }
0x52: {  	_ =	sfence.sel $0x180000  }
0x53: {  	[bflag:$0x0] =	sbarrier.arrive $0xFFFF  }
0x54: {  	p0 =	sne.s32 s0, $0x0;
	_ =	strace $0x90000047  }
0x55: {  	s0 =	sadd.s32 @!p0 $0x100000, s1;
	[bflag:$0x2] =	sbarrier.arrive $0xFFFF  }
0x56: {  	[sflag:s0] =	ssyncadd.tile.s32 @!p0 $0x1;
	_ =	shalt  }
.Lfunc_end2:
_tile_overlayer_lowered:
.L_overlay_start_2:
0x57: {  	(tag) =	ssettag $0x2  }
0x58: {  	s0 =	rddreg [dreg:$0x0];
	s2 =	stileid.u32  }
0x59: {  	s1 =	rddreg [dreg:$0x1];
	p0 =	sne.s32 s2, $0x0  }
0x5a: {  	s3 =	rddreg [dreg:$0x2];
	[bflag:$0x3] =	sbarrier.arrive $0xFFFF;
	s2 =	simm.s32 @!p0 $0x1C02  }
0x5b: {  	[timem:s3], [sflag:s2] =	dma.local @!p0 [hbm:s0], s1  }
0x5c: {  	s0 =	simm.s32 @!p0 $0x2  }
0x5d: {  	_ =	swait.ge @!p0 [sflag:s0], s1  }
0x5e: {  	s1 =	ssub.s32 @!p0 $0x0, s1;
	[sflag:s0] =	ssyncset.done @!p0 $0x0  }
0x5f: {  	[sflag:s0] =	ssyncadd.s32 @!p0 s1  }
0x60: {  	[bflag:$0x3] =	sbarrier.arrive $0xFFFF  }
0x61: {  	_ =	shalt  }

</sc_bundles>
